<compile_context>
chip_gen: v7x
topology: tpu7x:2x2x1
jax: 0.10.2.dev20260603
libtpu: 0.0.44.dev20260713+nightly
codegen_flags: <defaults>
</compile_context>

<pallas_src>
import functools

import jax
import jax.numpy as jnp
from jax import lax
from jax.experimental import pallas as pl
from jax.experimental.pallas import tpu as pltpu
from jax.experimental.pallas import tpu_sc as plsc

_EPS = 1e-07
_VOCAB = 30522
_NTOK = 1024
_NC, _NS, _L = 2, 16, 16
_NW = _NC * _NS
_BW = _NTOK // _NW


def _sc_gather(yp_rows, yt):
    mesh = plsc.VectorSubcoreMesh(core_axis_name="c", subcore_axis_name="s")

    @functools.partial(
        pl.kernel,
        mesh=mesh,
        out_type=jax.ShapeDtypeStruct((_NTOK,), jnp.float32),
        scratch_types=[
            pltpu.VMEM((_BW,), jnp.int32),
            pltpu.VMEM((_BW,), jnp.int32),
            pltpu.VMEM((_BW, 128), jnp.float32),
            pltpu.VMEM((_BW,), jnp.float32),
            pltpu.SemaphoreType.DMA,
        ],
        compiler_params=pltpu.CompilerParams(needs_layout_passes=False),
    )
    def body(yp_hbm, yt_hbm, out_hbm, yt_v, idx_v, rows_v, p_v, sem):
        wid = lax.axis_index("s") * _NC + lax.axis_index("c")
        base = wid * _BW
        b = wid // 4
        pltpu.sync_copy(yt_hbm.at[pl.ds(base, _BW)], yt_v)
        for v in range(_BW // _L):
            sl = pl.ds(v * _L, _L)
            idx_v[sl] = yt_v[sl] * 8 + b
        pltpu.async_copy(yp_hbm.at[idx_v], rows_v, sem).wait()
        for v in range(_BW // _L):
            tok = lax.iota(jnp.int32, _L) + v * _L
            lane = (base + tok) % 128
            p_v[pl.ds(v * _L, _L)] = plsc.load_gather(rows_v, [tok, lane])
        pltpu.sync_copy(p_v, out_hbm.at[pl.ds(base, _BW)])

    return body(yp_rows, yt)


def _loss_body(p_ref, yt_ref, um_ref, out_ref):
    yt = yt_ref[...]
    um = um_ref[...]
    p = p_ref[...]
    cnt = jnp.sum((yt == um).astype(jnp.float32), axis=1, keepdims=True)
    alpha = jnp.where(
        (yt >= 2) & (cnt > 0.0),
        lax.rsqrt(jnp.maximum(cnt, 1e-20)),
        0.0,
    )
    keep = (yt != 0).astype(jnp.float32)
    a = alpha * keep
    pc = jnp.clip(p, _EPS, 1.0 - _EPS)
    om = 1.0 - pc
    num = jnp.sum(a * om * om * (-jnp.log(pc)))
    den = jnp.sum(a)
    out_ref[...] = (num / den).reshape(1, 1)


def kernel(y_pred, y_true):
    yt = y_true[:, :, 0].reshape(-1)
    um = y_true[:, :, 1].reshape(-1)
    yp_rows = y_pred.transpose(2, 0, 1).reshape(_VOCAB * 8, 128)
    p = _sc_gather(yp_rows, yt)
    out = pl.pallas_call(
        _loss_body,
        out_shape=jax.ShapeDtypeStruct((1, 1), jnp.float32),
    )(
        p.reshape(_NTOK, 1),
        yt.reshape(_NTOK, 1),
        um.reshape(1, _NTOK),
    )
    return out[0, 0]

# --- scband reference (transcript-rebuilt; emitter-appended) ---
"""Pipeline reference for scband-categorical-loss-8864812499447 (READ-ONLY COPY).

The authoritative reference and input builder live on the scoring server;
editing this copy changes nothing except your own understanding.
"""

import jax, jax.numpy as jnp
import numpy as np

EPSILON = 1e-07
MASK = 0
VOCAB_SIZE = 30522
GAMMA = 2.0


def setup_inputs(seed: int = 0) -> dict:
    key = jax.random.key(seed)
    k1, k2 = jax.random.split(key)
    y_pred = jax.random.uniform(k1, (8, 128, VOCAB_SIZE), dtype=jnp.float32)
    y_true = jax.random.randint(k2, (8, 128, 2), 0, VOCAB_SIZE, dtype=jnp.int32)
    return {"y_pred": y_pred, "y_true": y_true}


def reference(y_pred, y_true):
    unmasked = y_true[:, :, 1]
    yt = y_true[:, :, 0].reshape(-1)
    yp = y_pred.reshape(-1, VOCAB_SIZE)
    keep_mask = (yt != MASK).astype(jnp.float32)
    # dynamic mini-batch class weights from unmasked-token frequencies
    freq = jnp.bincount(unmasked.reshape(-1), minlength=VOCAB_SIZE, length=VOCAB_SIZE).astype(jnp.float32)
    freq = freq.at[:2].set(0.0)
    alpha = jnp.where(freq == 0.0, jnp.zeros_like(freq), jax.lax.rsqrt(jnp.maximum(freq, 1e-20)))
    y_true_oh = jax.nn.one_hot(yt, VOCAB_SIZE, dtype=jnp.float32)
    yp_sel = jnp.clip(yp, EPSILON, 1.0 - EPSILON)
    pt = y_true_oh * yp_sel + (1.0 - y_true_oh) * (1.0 - yp_sel)
    loss = -alpha * (1.0 - pt) ** GAMMA * (y_true_oh * jnp.log(yp_sel))
    loss = (loss * keep_mask[:, None]).sum() / ((alpha * y_true_oh) * keep_mask[:, None]).sum()
    return loss

if __name__ == "__main__":
    import jax
    _d = setup_inputs()
    print(jax.jit(kernel)(*tuple(_d.values())))

</pallas_src>

<mosaic_0001>
#map = affine_map<(d0, d1) -> (0, 0)>
#map1 = affine_map<(d0, d1) -> (0)>
module attributes {stable_mosaic.version = 14 : i64} {
  func.func @body(%arg0: i32, %arg1: i32, %arg2: memref<244176x128xf32, #tpu.memory_space<hbm>>, %arg3: memref<1024xi32, #tpu.memory_space<hbm>>, %arg4: memref<1024xf32, #tpu.memory_space<hbm>>, %arg5: memref<32xi32, #tpu.memory_space<vmem>>, %arg6: memref<32xi32, #tpu.memory_space<vmem>>, %arg7: memref<32x128xf32, #tpu.memory_space<vmem>>, %arg8: memref<32xf32, #tpu.memory_space<vmem>>, %arg9: memref<!tpu.dma_semaphore, #tpu.memory_space<semaphore_mem>>) attributes {dimension_semantics = [#tpu.dimension_semantics<core_parallel>, #tpu.dimension_semantics<subcore_parallel>], iteration_bounds = array<i64: 2, 16>, scalar_prefetch = 0 : i64, scratch_operands = 5 : i64, tpu.core_type = #tpu.core_type<sc_vector_subcore>, window_params = [{transform_indices = #map}, {transform_indices = #map1}, {transform_indices = #map1}]} {
    %mul3A = arith.constant 2 : i32
    %mul3A_0 = arith.muli %arg1, %mul3A : i32
    %add3A = arith.addi %mul3A_0, %arg0 : i32
    %mul3A_1 = arith.constant 32 : i32
    %mul3A_2 = arith.muli %add3A, %mul3A_1 : i32
    %jit3A = arith.constant 4 : i32
    %div3A = arith.divsi %add3A, %jit3A : i32
    %sign3A = arith.constant 0 : i32
    %sign3A_3 = arith.cmpi sgt, %add3A, %sign3A : i32
    %sign3A_4 = arith.extui %sign3A_3 : i1 to i32
    %sign3A_5 = arith.constant 0 : i32
    %sign3A_6 = arith.cmpi slt, %add3A, %sign3A_5 : i32
    %sign3A_7 = arith.extui %sign3A_6 : i1 to i32
    %sign3A_8 = arith.subi %sign3A_4, %sign3A_7 : i32
    %sign3A_9 = arith.constant 0 : i32
    %sign3A_10 = arith.cmpi sgt, %jit3A, %sign3A_9 : i32
    %sign3A_11 = arith.extui %sign3A_10 : i1 to i32
    %sign3A_12 = arith.constant 0 : i32
    %sign3A_13 = arith.cmpi slt, %jit3A, %sign3A_12 : i32
    %sign3A_14 = arith.extui %sign3A_13 : i1 to i32
    %sign3A_15 = arith.subi %sign3A_11, %sign3A_14 : i32
    %ne3A = arith.cmpi ne, %sign3A_8, %sign3A_15 : i32
    %rem3A = arith.remsi %add3A, %jit3A : i32
    %ne3A_16 = arith.constant 0 : i32
    %ne3A_17 = arith.cmpi ne, %rem3A, %ne3A_16 : i32
    %and3A = arith.andi %ne3A, %ne3A_17 : i1
    %sub3A = arith.constant 1 : i32
    %sub3A_18 = arith.subi %div3A, %sub3A : i32
    %select_n3A = arith.select %and3A, %sub3A_18, %div3A : i32
    "tpu.region"() ({
      %run_scoped3A = tpu.sem_alloc : memref<!tpu.dma_semaphore, #tpu.memory_space<semaphore_mem>>
      %dma_start3A_97 = tpu.memref_slice %arg3[%mul3A_2] : memref<1024xi32, #tpu.memory_space<hbm>> -> memref<32xi32, #tpu.memory_space<hbm>>
      %dma_start3A_98 = tpu.memref_slice %arg3[%mul3A_2] : memref<1024xi32, #tpu.memory_space<hbm>> -> memref<32xi32, #tpu.memory_space<hbm>>
      tpu.enqueue_dma source(%dma_start3A_98 : memref<32xi32, #tpu.memory_space<hbm>>) target(%arg5 : memref<32xi32, #tpu.memory_space<vmem>>) target_semaphore(%run_scoped3A : memref<!tpu.dma_semaphore, #tpu.memory_space<semaphore_mem>>)
      %dma_wait3A_99 = tpu.memref_slice %arg3[%mul3A_2] : memref<1024xi32, #tpu.memory_space<hbm>> -> memref<32xi32, #tpu.memory_space<hbm>>
      %dma_wait3A_100 = tpu.memref_slice %arg3[%mul3A_2] : memref<1024xi32, #tpu.memory_space<hbm>> -> memref<32xi32, #tpu.memory_space<hbm>>
      tpu.wait_dma2 semaphore(%run_scoped3A : memref<!tpu.dma_semaphore, #tpu.memory_space<semaphore_mem>>) src(%dma_wait3A_100 : memref<32xi32, #tpu.memory_space<hbm>>) dst(%arg5 : memref<32xi32, #tpu.memory_space<vmem>>)
      tpu.yield
    }) : () -> ()
    %get3A = arith.constant 0 : index
    %get3A_19 = tpu.vector_load %arg5[%get3A] {strides = array<i32>} : memref<32xi32, #tpu.memory_space<vmem>>, vector<16xi32>,
    %mul3A_20 = arith.constant 8 : i32
    %mul3A_21 = vector.broadcast %mul3A_20 : i32 to vector<16xi32>
    %mul3A_22 = arith.muli %get3A_19, %mul3A_21 : vector<16xi32>
    %add3A_23 = vector.broadcast %select_n3A : i32 to vector<16xi32>
    %add3A_24 = arith.addi %mul3A_22, %add3A_23 : vector<16xi32>
    %swap3A = arith.constant 0 : index
    %swap3A_25 = tpu.vector_load %arg6[%swap3A] {strides = array<i32>} : memref<32xi32, #tpu.memory_space<vmem>>, vector<16xi32>,
    tpu.vector_store %arg6[%swap3A], %add3A_24 {strides = array<i32>} : memref<32xi32, #tpu.memory_space<vmem>>, vector<16xi32>,
    %get3A_26 = arith.constant 16 : index
    %get3A_27 = tpu.vector_load %arg5[%get3A_26] {strides = array<i32>} : memref<32xi32, #tpu.memory_space<vmem>>, vector<16xi32>,
    %mul3A_28 = arith.constant 8 : i32
    %mul3A_29 = vector.broadcast %mul3A_28 : i32 to vector<16xi32>
    %mul3A_30 = arith.muli %get3A_27, %mul3A_29 : vector<16xi32>
    %add3A_31 = vector.broadcast %select_n3A : i32 to vector<16xi32>
    %add3A_32 = arith.addi %mul3A_30, %add3A_31 : vector<16xi32>
    %swap3A_33 = arith.constant 16 : index
    %swap3A_34 = tpu.vector_load %arg6[%swap3A_33] {strides = array<i32>} : memref<32xi32, #tpu.memory_space<vmem>>, vector<16xi32>,
    tpu.vector_store %arg6[%swap3A_33], %add3A_32 {strides = array<i32>} : memref<32xi32, #tpu.memory_space<vmem>>, vector<16xi32>,
    %dma_start3A = arith.constant 0 : i32
    %dma_start3A_35 = arith.constant 0 : i32
    %dma_start3A_36 = tpu.memref_slice %arg2[%dma_start3A, %dma_start3A_35] : memref<244176x128xf32, #tpu.memory_space<hbm>> -> memref<244176x128xf32, #tpu.memory_space<hbm>>
    tpu.enqueue_indirect_dma source(%dma_start3A_36 : memref<244176x128xf32, #tpu.memory_space<hbm>>) target(%arg7 : memref<32x128xf32, #tpu.memory_space<vmem>>) offsets(%arg6 : memref<32xi32, #tpu.memory_space<vmem>>) semaphore(%arg9 : memref<!tpu.dma_semaphore, #tpu.memory_space<semaphore_mem>>)
    %dma_wait3A = arith.constant 0 : i32
    %dma_wait3A_37 = arith.constant 0 : i32
    %dma_wait3A_38 = tpu.memref_slice %arg2[%dma_wait3A, %dma_wait3A_37] : memref<244176x128xf32, #tpu.memory_space<hbm>> -> memref<244176x128xf32, #tpu.memory_space<hbm>>
    tpu.wait_indirect_dma semaphore(%arg9 : memref<!tpu.dma_semaphore, #tpu.memory_space<semaphore_mem>>) src(%dma_wait3A_38 : memref<244176x128xf32, #tpu.memory_space<hbm>>) dst(%arg7 : memref<32x128xf32, #tpu.memory_space<vmem>>)
    %iota3A = tpu.iota {dimensions = array<i32: 0>} : vector<16xi32>
    %add3A_39 = arith.constant 0 : i32
    %add3A_40 = vector.broadcast %add3A_39 : i32 to vector<16xi32>
    %add3A_41 = arith.addi %iota3A, %add3A_40 : vector<16xi32>
    %add3A_42 = vector.broadcast %mul3A_2 : i32 to vector<16xi32>
    %add3A_43 = arith.addi %add3A_42, %add3A_41 : vector<16xi32>
    %jit3A_44 = arith.constant 128 : i32
    %eq3A = arith.constant 0 : i32
    %eq3A_45 = arith.cmpi eq, %jit3A_44, %eq3A : i32
    %jit3A_46 = arith.constant 1 : i32
    %select_n3A_47 = arith.select %eq3A_45, %jit3A_46, %jit3A_44 : i32
    %rem3A_48 = vector.broadcast %select_n3A_47 : i32 to vector<16xi32>
    %rem3A_49 = arith.remsi %add3A_43, %rem3A_48 : vector<16xi32>
    %ne3A_50 = arith.constant 0 : i32
    %ne3A_51 = vector.broadcast %ne3A_50 : i32 to vector<16xi32>
    %ne3A_52 = arith.cmpi ne, %rem3A_49, %ne3A_51 : vector<16xi32>
    %lt3A = arith.constant 0 : i32
    %lt3A_53 = vector.broadcast %lt3A : i32 to vector<16xi32>
    %lt3A_54 = arith.cmpi slt, %rem3A_49, %lt3A_53 : vector<16xi32>
    %lt3A_55 = arith.constant 0 : i32
    %lt3A_56 = arith.cmpi slt, %select_n3A_47, %lt3A_55 : i32
    %ne3A_57 = vector.broadcast %lt3A_56 : i1 to vector<16xi1>
    %ne3A_58 = vector.broadcast %ne3A_57 : vector<16xi1> to vector<16xi1>
    %ne3A_59 = arith.xori %lt3A_54, %ne3A_58 : vector<16xi1>
    %and3A_60 = arith.andi %ne3A_59, %ne3A_52 : vector<16xi1>
    %add3A_61 = vector.broadcast %select_n3A_47 : i32 to vector<16xi32>
    %add3A_62 = arith.addi %rem3A_49, %add3A_61 : vector<16xi32>
    %select_n3A_63 = arith.select %and3A_60, %add3A_62, %rem3A_49 : vector<16xi1>, vector<16xi32>
    %gather3A = tpu.vector_load_idx %arg7[%add3A_41, %select_n3A_63] : memref<32x128xf32, #tpu.memory_space<vmem>>[vector<16xi32>, vector<16xi32>], vector<16xf32>,
    %swap3A_64 = arith.constant 0 : index
    %swap3A_65 = tpu.vector_load %arg8[%swap3A_64] {strides = array<i32>} : memref<32xf32, #tpu.memory_space<vmem>>, vector<16xf32>,
    tpu.vector_store %arg8[%swap3A_64], %gather3A {strides = array<i32>} : memref<32xf32, #tpu.memory_space<vmem>>, vector<16xf32>,
    %iota3A_66 = tpu.iota {dimensions = array<i32: 0>} : vector<16xi32>
    %add3A_67 = arith.constant 16 : i32
    %add3A_68 = vector.broadcast %add3A_67 : i32 to vector<16xi32>
    %add3A_69 = arith.addi %iota3A_66, %add3A_68 : vector<16xi32>
    %add3A_70 = vector.broadcast %mul3A_2 : i32 to vector<16xi32>
    %add3A_71 = arith.addi %add3A_70, %add3A_69 : vector<16xi32>
    %jit3A_72 = arith.constant 128 : i32
    %eq3A_73 = arith.constant 0 : i32
    %eq3A_74 = arith.cmpi eq, %jit3A_72, %eq3A_73 : i32
    %jit3A_75 = arith.constant 1 : i32
    %select_n3A_76 = arith.select %eq3A_74, %jit3A_75, %jit3A_72 : i32
    %rem3A_77 = vector.broadcast %select_n3A_76 : i32 to vector<16xi32>
    %rem3A_78 = arith.remsi %add3A_71, %rem3A_77 : vector<16xi32>
    %ne3A_79 = arith.constant 0 : i32
    %ne3A_80 = vector.broadcast %ne3A_79 : i32 to vector<16xi32>
    %ne3A_81 = arith.cmpi ne, %rem3A_78, %ne3A_80 : vector<16xi32>
    %lt3A_82 = arith.constant 0 : i32
    %lt3A_83 = vector.broadcast %lt3A_82 : i32 to vector<16xi32>
    %lt3A_84 = arith.cmpi slt, %rem3A_78, %lt3A_83 : vector<16xi32>
    %lt3A_85 = arith.constant 0 : i32
    %lt3A_86 = arith.cmpi slt, %select_n3A_76, %lt3A_85 : i32
    %ne3A_87 = vector.broadcast %lt3A_86 : i1 to vector<16xi1>
    %ne3A_88 = vector.broadcast %ne3A_87 : vector<16xi1> to vector<16xi1>
    %ne3A_89 = arith.xori %lt3A_84, %ne3A_88 : vector<16xi1>
    %and3A_90 = arith.andi %ne3A_89, %ne3A_81 : vector<16xi1>
    %add3A_91 = vector.broadcast %select_n3A_76 : i32 to vector<16xi32>
    %add3A_92 = arith.addi %rem3A_78, %add3A_91 : vector<16xi32>
    %select_n3A_93 = arith.select %and3A_90, %add3A_92, %rem3A_78 : vector<16xi1>, vector<16xi32>
    %gather3A_94 = tpu.vector_load_idx %arg7[%add3A_69, %select_n3A_93] : memref<32x128xf32, #tpu.memory_space<vmem>>[vector<16xi32>, vector<16xi32>], vector<16xf32>,
    %swap3A_95 = arith.constant 16 : index
    %swap3A_96 = tpu.vector_load %arg8[%swap3A_95] {strides = array<i32>} : memref<32xf32, #tpu.memory_space<vmem>>, vector<16xf32>,
    tpu.vector_store %arg8[%swap3A_95], %gather3A_94 {strides = array<i32>} : memref<32xf32, #tpu.memory_space<vmem>>, vector<16xf32>,
    "tpu.region"() ({
      %run_scoped3A = tpu.sem_alloc : memref<!tpu.dma_semaphore, #tpu.memory_space<semaphore_mem>>
      %dma_start3A_97 = tpu.memref_slice %arg4[%mul3A_2] : memref<1024xf32, #tpu.memory_space<hbm>> -> memref<32xf32, #tpu.memory_space<hbm>>
      %dma_start3A_98 = tpu.memref_slice %arg4[%mul3A_2] : memref<1024xf32, #tpu.memory_space<hbm>> -> memref<32xf32, #tpu.memory_space<hbm>>
      tpu.enqueue_dma source(%arg8 : memref<32xf32, #tpu.memory_space<vmem>>) target(%dma_start3A_98 : memref<32xf32, #tpu.memory_space<hbm>>) target_semaphore(%run_scoped3A : memref<!tpu.dma_semaphore, #tpu.memory_space<semaphore_mem>>)
      %dma_wait3A_99 = tpu.memref_slice %arg4[%mul3A_2] : memref<1024xf32, #tpu.memory_space<hbm>> -> memref<32xf32, #tpu.memory_space<hbm>>
      %dma_wait3A_100 = tpu.memref_slice %arg4[%mul3A_2] : memref<1024xf32, #tpu.memory_space<hbm>> -> memref<32xf32, #tpu.memory_space<hbm>>
      tpu.wait_dma2 semaphore(%run_scoped3A : memref<!tpu.dma_semaphore, #tpu.memory_space<semaphore_mem>>) src(%arg8 : memref<32xf32, #tpu.memory_space<vmem>>) dst(%dma_wait3A_100 : memref<32xf32, #tpu.memory_space<hbm>>)
      tpu.yield
    }) : () -> ()
    return
  }
}

module attributes {stable_mosaic.version = 14 : i64} {
  func.func @_loss_body(%arg0: memref<1024x1xf32, #tpu.memory_space<vmem>>, %arg1: memref<1024x1xi32, #tpu.memory_space<vmem>>, %arg2: memref<1x1024xi32, #tpu.memory_space<vmem>>, %arg3: memref<1x1xf32, #tpu.memory_space<vmem>>) attributes {dimension_semantics = [], scalar_prefetch = 0 : i64, scratch_operands = 0 : i64, tpu.core_type = #tpu.core_type<tc>} {
    %get3A = arith.constant 0 : index
    %get3A_0 = arith.constant 0 : index
    %get3A_1 = vector.load %arg1[%get3A, %get3A_0] : memref<1024x1xi32, #tpu.memory_space<vmem>>, vector<1024x1xi32>
    %get3A_2 = arith.constant 0 : index
    %get3A_3 = arith.constant 0 : index
    %get3A_4 = vector.load %arg2[%get3A_2, %get3A_3] : memref<1x1024xi32, #tpu.memory_space<vmem>>, vector<1x1024xi32>
    %get3A_5 = arith.constant 0 : index
    %get3A_6 = arith.constant 0 : index
    %get3A_7 = vector.load %arg0[%get3A_5, %get3A_6] : memref<1024x1xf32, #tpu.memory_space<vmem>>, vector<1024x1xf32>
    %eq3A = vector.broadcast %get3A_1 : vector<1024x1xi32> to vector<1024x1024xi32>
    %eq3A_8 = vector.broadcast %get3A_4 : vector<1x1024xi32> to vector<1024x1024xi32>
    %eq3A_9 = arith.cmpi eq, %eq3A, %eq3A_8 : vector<1024x1024xi32>
    %convert_element_type3A = arith.extui %eq3A_9 : vector<1024x1024xi1> to vector<1024x1024xi32>
    %convert_element_type3A_10 = arith.sitofp %convert_element_type3A : vector<1024x1024xi32> to vector<1024x1024xf32>
    %reduce_sum3A = arith.constant dense<0.000000e+00> : vector<1024xf32>
    %reduce_sum3A_11 = vector.multi_reduction <add>, %convert_element_type3A_10, %reduce_sum3A [1] : vector<1024x1024xf32> to vector<1024xf32>
    %broadcast_in_dim3A = vector.shape_cast %reduce_sum3A_11 : vector<1024xf32> to vector<1024x1xf32>
    %ge3A = arith.constant 2 : i32
    %ge3A_12 = vector.broadcast %ge3A : i32 to vector<1024x1xi32>
    %ge3A_13 = arith.cmpi sge, %get3A_1, %ge3A_12 : vector<1024x1xi32>
    %gt3A = arith.constant 0.000000e+00 : f32
    %gt3A_14 = vector.broadcast %gt3A : f32 to vector<1024x1xf32>
    %gt3A_15 = arith.cmpf ogt, %broadcast_in_dim3A, %gt3A_14 : vector<1024x1xf32>
    %and3A = arith.andi %ge3A_13, %gt3A_15 : vector<1024x1xi1>
    %max3A = arith.constant 9.99999968E-21 : f32
    %max3A_16 = vector.broadcast %max3A : f32 to vector<1024x1xf32>
    %max3A_17 = arith.maximumf %broadcast_in_dim3A, %max3A_16 : vector<1024x1xf32>
    %rsqrt3A = math.rsqrt %max3A_17 : vector<1024x1xf32>
    %jit3A = arith.constant 0.000000e+00 : f32
    %broadcast_in_dim3A_18 = vector.broadcast %jit3A : f32 to vector<1024x1xf32>
    %select_n3A = arith.select %and3A, %rsqrt3A, %broadcast_in_dim3A_18 : vector<1024x1xi1>, vector<1024x1xf32>
    %ne3A = arith.constant 0 : i32
    %ne3A_19 = vector.broadcast %ne3A : i32 to vector<1024x1xi32>
    %ne3A_20 = arith.cmpi ne, %get3A_1, %ne3A_19 : vector<1024x1xi32>
    %convert_element_type3A_21 = arith.extui %ne3A_20 : vector<1024x1xi1> to vector<1024x1xi32>
    %convert_element_type3A_22 = arith.sitofp %convert_element_type3A_21 : vector<1024x1xi32> to vector<1024x1xf32>
    %mul3A = arith.mulf %select_n3A, %convert_element_type3A_22 : vector<1024x1xf32>
    %jit3A_23 = arith.constant 1.000000e-07 : f32
    %jit3A_24 = arith.constant 0.99999988 : f32
    %max3A_25 = vector.broadcast %jit3A_23 : f32 to vector<1024x1xf32>
    %max3A_26 = arith.maximumf %max3A_25, %get3A_7 : vector<1024x1xf32>
    %min3A = vector.broadcast %jit3A_24 : f32 to vector<1024x1xf32>
    %min3A_27 = arith.minimumf %min3A, %max3A_26 : vector<1024x1xf32>
    %sub3A = arith.constant 1.000000e+00 : f32
    %sub3A_28 = vector.broadcast %sub3A : f32 to vector<1024x1xf32>
    %sub3A_29 = arith.subf %sub3A_28, %min3A_27 : vector<1024x1xf32>
    %mul3A_30 = arith.mulf %mul3A, %sub3A_29 : vector<1024x1xf32>
    %mul3A_31 = arith.mulf %mul3A_30, %sub3A_29 : vector<1024x1xf32>
    %log3A = math.log %min3A_27 : vector<1024x1xf32>
    %neg3A = arith.constant 0.000000e+00 : f32
    %neg3A_32 = vector.broadcast %neg3A : f32 to vector<1024x1xf32>
    %neg3A_33 = arith.subf %neg3A_32, %log3A : vector<1024x1xf32>
    %mul3A_34 = arith.mulf %mul3A_31, %neg3A_33 : vector<1024x1xf32>
    %reduce_sum3A_35 = vector.shape_cast %mul3A_34 : vector<1024x1xf32> to vector<1x1024x1xf32>
    %reduce_sum3A_36 = arith.constant dense<0.000000e+00> : vector<1xf32>
    %reduce_sum3A_37 = vector.multi_reduction <add>, %reduce_sum3A_35, %reduce_sum3A_36 [1, 2] : vector<1x1024x1xf32> to vector<1xf32>
    %reduce_sum3A_38 = vector.shape_cast %reduce_sum3A_37 : vector<1xf32> to vector<1x1x1xf32>
    %reduce_sum3A_39 = vector.extract %reduce_sum3A_38[0, 0, 0] : f32 from vector<1x1x1xf32>
    %reduce_sum3A_40 = vector.shape_cast %mul3A : vector<1024x1xf32> to vector<1x1024x1xf32>
    %reduce_sum3A_41 = arith.constant dense<0.000000e+00> : vector<1xf32>
    %reduce_sum3A_42 = vector.multi_reduction <add>, %reduce_sum3A_40, %reduce_sum3A_41 [1, 2] : vector<1x1024x1xf32> to vector<1xf32>
    %reduce_sum3A_43 = vector.shape_cast %reduce_sum3A_42 : vector<1xf32> to vector<1x1x1xf32>
    %reduce_sum3A_44 = vector.extract %reduce_sum3A_43[0, 0, 0] : f32 from vector<1x1x1xf32>
    %div3A = arith.divf %reduce_sum3A_39, %reduce_sum3A_44 : f32
    %reshape3A = vector.broadcast %div3A : f32 to vector<1x1xf32>
    %swap3A = arith.constant 0 : index
    %swap3A_45 = arith.constant 0 : index
    %swap3A_46 = vector.load %arg3[%swap3A, %swap3A_45] : memref<1x1xf32, #tpu.memory_space<vmem>>, vector<1x1xf32>
    tpu.vector_store %arg3[%swap3A, %swap3A_45], %reshape3A {strides = array<i32>} : memref<1x1xf32, #tpu.memory_space<vmem>>, vector<1x1xf32>,
    return
  }
}

</mosaic_0001>

<sc_bundles>
// kernel: kernel.4.cloned.1.call-start
scs
__scs_entry_jumppad:
0x0: {  	(pc) =	sbr.rel $0x88, $3  }
0x1: {  	(tag) =	ssettag $0x0;
	lr =	simm.s32 $0x1  }
0x2: {  	[smem:$0x3F9F] =	sst lr;
	_ =	strace $0xD0000000  }
0x3: {  	_ = 	snop  }
0x4: {  	_ = 	snop  }
0x5: {  	_ = 	snop  }
0x6: {  	_ = 	snop  }
0x7: {  	_ = 	snop  }
__scs_overlays_trampoline_lowered:
0x8: {  	[smem:$0x3FAE] =	sst s0  }
0x9: {  	[smem:$0x3FAF] =	sst s1  }
0xa: {  	[smem:$0x3FB0] =	sst s2  }
0xb: {  	[smem:$0x3FB1] =	sst s3  }
0xc: {  	[smem:$0x3FB2] =	sst s4  }
0xd: {  	[smem:$0x3FB3] =	sst s5  }
0xe: {  	[smem:$0x3FB4] =	sst s6  }
0xf: {  	[smem:$0x3FB5] =	sst s7  }
0x10: {  	[smem:$0x3FB6] =	sst s8  }
0x11: {  	[smem:$0x3FB7] =	sst s9;
	s0 =	simm.s32 @!p0 $0x0  }
0x12: {  	s1 =	sld [smem:$0x3F9D];
	s0 =	simm.s32 @p0 $0x1  }
0x13: {  	[smem:$0x3FB8] =	sst s0;
	s0 =	simm.s32 @!p1 $0x0  }
0x14: {  	s2 =	sld [smem:$0x3F9C];
	s0 =	simm.s32 @p1 $0x1  }
0x15: {  	[smem:$0x3FB9] =	sst s0;
	s0 =	simm.s32 @!p2 $0x0  }
0x16: {  	s3 =	sld [smem:$0x3FDB];
	s0 =	simm.s32 @p2 $0x1  }
0x17: {  	s4 =	simm.s32 $0x1BF5;
	[smem:$0x3FBB] =	sst s0  }
0x18: {  	s0 =	sld [smem:$0x3F9E];
	_ =	swait.ge [sflag:s4], $0x0  }
0x19: {  	s7 =	sld [smem:$0x3F9F]  }
0x1a: {  	s8 =	sadd.s32 $0xFFFFE003, lr  }
0x1b: {  	s9 =	sadd.s32 $0xFFFFFEF7, lr;
	s5 =	simm.s32 $0xFFFFFFFF;
	p2 =	slt.u32 s8, $0xFFFFF086  }
0x1c: {  	p1 =	slt.u32 s9, $0xF7A;
	s5 =	simm.s32 @!p2 $0x0  }
0x1d: {  	s5 =	simm.s32 @p1 $0x1;
	p0 =	seq.s32 s7, s2  }
0x1e: {  	s7 =	smul.u32 @!p0 $0xF7A, s2;
	p2 =	seq.s32 @!p0 s5, $0x0  }
0x1f: {  	s9 =	smul.u32 $0xF7A, s1;
	s8 =	simm.s32 @!p0 $0x1BF5;
	p2 =	por !p2, p0  }
0x20: {  	[sflag:s8] =	ssyncset.s32 @!p0 $0xFFFFF086;
	s6 =	sadd.s32 @!p0 s3, s7;
	s7 =	simm.s32 @!p0 $0x108  }
0x21: {  	s3 =	sadd.s32 s3, s9;
	s6 =	sadd.s32 @!p0 $0x88, s6;
	s7 =	simm.s32 @p2 $0x1082  }
0x22: {  	[simem:s7], [sflag:s8] =	dma.local @!p0 [hbm:s6], $0xF7A  }
0x23: {  	s9 =	sor.u32 $0xD0000000, s2;
	s6 =	simm.s32 $0x108;
	_ =	swait.ge @!p0 [sflag:s8], $0x0  }
0x24: {  	s3 =	sadd.s32 $0x88, s3;
	s6 =	simm.s32 @!p1 $0x1082;
	[sflag:s4] =	ssyncset.s32 $0xFFFFF086  }
0x25: {  	[simem:s6], [sflag:s4] =	dma.local [hbm:s3], $0xF7A  }
0x26: {  	[smem:$0x3F9F] =	sst s1;
	(tag) =	ssettag s2;
	_ =	strace s9  }
0x27: {  	s1 =	sld [smem:$0x3FAF]  }
0x28: {  	s2 =	sld [smem:$0x3FB0]  }
0x29: {  	s4 =	sld [smem:$0x3FB2]  }
0x2a: {  	p0 =	seq.s32 s5, $0x0;
	s5 =	sld [smem:$0x3FB3]  }
0x2b: {  	s6 =	sld [smem:$0x3FB4]  }
0x2c: {  	s7 =	sld [smem:$0x3FB5]  }
0x2d: {  	s3 =	simm.s32 $0x108;
	s8 =	sld [smem:$0x3FB6]  }
0x2e: {  	s3 =	simm.s32 @!p0 $0x1082;
	s9 =	sld [smem:$0x3FB7]  }
0x2f: {  	lr =	sadd.s32 s0, s3;
	s0 =	sld [smem:$0x3FAE]  }
0x30: {  	s3 =	sld [smem:$0x3FB1]  }
0x31: {  	[smem:$0x3FBA] =	sst s10  }
0x32: {  	s10 =	sld [smem:$0x3FB8];
	_ =	sdelay $0x3  }
0x33: {  	p0 =	seq.s32 s10, $0x1;
	s10 =	sld [smem:$0x3FBA];
	_ =	sdelay $0x3  }
0x34: {  	[smem:$0x3FBA] =	sst s10  }
0x35: {  	s10 =	sld [smem:$0x3FB9];
	_ =	sdelay $0x3  }
0x36: {  	p1 =	seq.s32 s10, $0x1;
	s10 =	sld [smem:$0x3FBA];
	_ =	sdelay $0x3  }
0x37: {  	[smem:$0x3FBA] =	sst s10  }
0x38: {  	s10 =	sld [smem:$0x3FBB]  }
0x39: {  	_ = 	snop;
	(pc) =	sbr.ind lr, $3  }
0x3a: {  	_ = 	snop  }
0x3b: {  	_ = 	snop  }
0x3c: {  	p2 =	seq.s32 s10, $0x1;
	s10 =	sld [smem:$0x3FBA]  }
0x3d: {  	_ =	shalt  }
0x3e: {  	_ =	shalt  }
0x3f: {  	_ =	shalt  }
0x40: {  	_ =	shalt  }
0x41: {  	_ =	shalt  }
0x42: {  	_ =	shalt  }
0x43: {  	_ =	shalt  }
0x44: {  	_ =	shalt  }
0x45: {  	_ =	shalt  }
0x46: {  	_ =	shalt  }
0x47: {  	_ =	shalt  }
0x48: {  	_ =	shalt  }
0x49: {  	_ =	shalt  }
0x4a: {  	_ =	shalt  }
0x4b: {  	_ =	shalt  }
0x4c: {  	_ =	shalt  }
0x4d: {  	_ =	shalt  }
0x4e: {  	_ =	shalt  }
0x4f: {  	_ =	shalt  }
0x50: {  	_ =	shalt  }
0x51: {  	_ =	shalt  }
0x52: {  	_ =	shalt  }
0x53: {  	_ =	shalt  }
0x54: {  	_ =	shalt  }
0x55: {  	_ =	shalt  }
0x56: {  	_ =	shalt  }
0x57: {  	_ =	shalt  }
0x58: {  	_ =	shalt  }
0x59: {  	_ =	shalt  }
0x5a: {  	_ =	shalt  }
0x5b: {  	_ =	shalt  }
0x5c: {  	_ =	shalt  }
0x5d: {  	_ =	shalt  }
0x5e: {  	_ =	shalt  }
0x5f: {  	_ =	shalt  }
0x60: {  	_ =	shalt  }
0x61: {  	_ =	shalt  }
0x62: {  	_ =	shalt  }
0x63: {  	_ =	shalt  }
0x64: {  	_ =	shalt  }
0x65: {  	_ =	shalt  }
0x66: {  	_ =	shalt  }
0x67: {  	_ =	shalt  }
0x68: {  	_ =	shalt  }
0x69: {  	_ =	shalt  }
0x6a: {  	_ =	shalt  }
0x6b: {  	_ =	shalt  }
0x6c: {  	_ =	shalt  }
0x6d: {  	_ =	shalt  }
0x6e: {  	_ =	shalt  }
0x6f: {  	_ =	shalt  }
0x70: {  	_ =	shalt  }
0x71: {  	_ =	shalt  }
0x72: {  	_ =	shalt  }
0x73: {  	_ =	shalt  }
0x74: {  	_ =	shalt  }
0x75: {  	_ =	shalt  }
0x76: {  	_ =	shalt  }
0x77: {  	_ =	shalt  }
0x78: {  	_ =	shalt  }
0x79: {  	_ =	shalt  }
0x7a: {  	_ =	shalt  }
0x7b: {  	_ =	shalt  }
0x7c: {  	_ =	shalt  }
0x7d: {  	_ =	shalt  }
0x7e: {  	_ =	shalt  }
0x7f: {  	_ =	shalt  }
0x80: {  	_ =	shalt  }
0x81: {  	_ =	shalt  }
0x82: {  	_ =	shalt  }
0x83: {  	_ =	shalt  }
0x84: {  	_ =	shalt  }
0x85: {  	_ =	shalt  }
0x86: {  	_ =	shalt  }
0x87: {  	_ =	shalt  }
.Lfunc_end0:
.L_simem_size_0:
called_computation_lowered:
.L_overlay_start_0:
0x88: {  	s2 =	sld [smem:$0x3FD9]  }
0x89: {  	s3 =	sld [smem:$0x3FFE];
	_ =	sdelay $0x1  }
0x8a: {  	s1 =	srdreg.scid  }
0x8b: {  	s0 =	sand.u32 $0x1, s1  }
0x8c: {  	s17 =	sshll.u32 s0, $0xA;
	s2 =	sadd.s32 s3, s2  }
0x8d: {  	s2 =	sadd.s32 s2, s17  }
0x8e: {  	[smem:$0x3FC6] =	sst s2  }
0x8f: {  	_ = 	snop  }
0x90: {  	s2 =	sld [smem:$0x3FC9];
	(tm) =	ssettm $0x1  }
0x91: {  	s18 =	sld [smem:$0x3FFB];
	_ =	sdelay $0x3  }
0x92: {  	_ =	strace s18  }
0x93: {  	s3 =	sld [smem:$0x3FFC];
	_ =	sdelay $0x3  }
0x94: {  	_ =	strace s3  }
0x95: {  	s3 =	sld [smem:$0x3FFD];
	_ =	sdelay $0x3  }
0x96: {  	_ =	strace s3  }
0x97: {  	_ =	strace $0x8FFFFFFF  }
0x98: {  	s19 =	sld [smem:$0x3FDB];
	_ =	sdelay $0x1  }
0x99: {  	s4 =	simm.s32 $_scs_section_size  }
0x9a: {  	s5 =	simm.s32 $_size__tile_overlayer_lowered;
	s6 =	simm.s32 $_tile_overlayer_lowered  }
0x9b: {  	s22 =	simm.s32 $0x1BFF;
	s21 =	sshll.u32 s6, $0x1;
	s3 =	sadd.s32 s4, s19  }
0x9c: {  	s7 =	simm.s32 $0x0;
	s20 =	sshll.u32 s5, $0x1;
	s5 =	sadd.s32 s21, s3  }
0x9d: {  	[timem:s7], [sflag:s22] =	dma.local [hbm:s5], s20  }
0x9e: {  	_ =	swait.ge [sflag:s22], s20  }
0x9f: {  	s4 =	ssub.s32 $0x0, s20;
	[sflag:s22] =	ssyncset.done $0x0  }
0xa0: {  	[sflag:s22] =	ssyncadd.s32 s4;
	_ =	sdelay $0x1  }
0xa1: {  	s23 =	simm.s32 $0x1B8B  }
0xa2: {  	_ =	swait.ge [sflag:s23], $0x1  }
0xa3: {  	[sflag:s23] =	ssyncset.done $0x0  }
0xa4: {  	s25 =	simm.s32 $0x1B8E;
	s24 =	sld [smem:$0x3FFE];
	[sflag:s23] =	ssyncadd.s32 $0xFFFFFFFF  }
0xa5: {  	s26 =	simm.s32 $execute0_lowered;
	[smem:$0x3FD2] =	sst s25  }
0xa6: {  	s5 =	sshll.u32 s26, $0x1;
	_ =	strace $0x80000046;
	[dreg:$0x1] =	wrdreg $0xFFFFFFFF  }
0xa7: {  	s28 =	simm.s32 $_size_execute0_lowered;
	s3 =	sadd.s32 s3, s5;
	[dreg:$0x0] =	wrdreg $0x0  }
0xa8: {  	s5 =	sshll.u32 s28, $0x1;
	[dreg:$0x2] =	wrdreg s3  }
0xa9: {  	[dreg:$0x3] =	wrdreg s5  }
0xaa: {  	[dreg:$0x4] =	wrdreg $0xC0  }
0xab: {  	_ =	task [dreg:s7], $0x5FFFF  }
0xac: {  	[dreg:$0x1] =	wrdreg $0xFFFFFFFF  }
0xad: {  	[dreg:$0x0] =	wrdreg $0x60  }
0xae: {  	[dreg:$0x2] =	wrdreg s2  }
0xaf: {  	[dreg:$0x3] =	wrdreg s24  }
0xb0: {  	[dreg:$0x4] =	wrdreg $0x9  }
0xb1: {  	_ =	task.clear_ibuf [dreg:s7], $0x5FFFF;
	_ =	strace $0x90000046  }
0xb2: {  	s29 =	simm.s32 $0x9;
	_ =	strace $0x80000048  }
0xb3: {  	_ =	swait.ge [sflag:s29], $0x1  }
0xb4: {  	[sflag:s29] =	ssyncadd.s32 $0xFFFFFFFF  }
0xb5: {  	_ =	strace $0x90000048  }
0xb6: {  	_ =	sfence  }
0xb7: {  	s30 =	sld [smem:$0x0];
	_ =	sdelay $0x2  }
0xb8: {  	s31 =	sshll.u32 s1, $0xD;
	s1 =	sshrl.u32 s1, $0x2  }
0xb9: {  	s3 =	sand.u32 $0x4000, s31;
	s1 =	sadd.s32 s1, s30  }
0xba: {  	s0 =	sor.u32 s3, s0;
	s1 =	sshll.u32 s1, $0x11  }
0xbb: {  	s0 =	sor.u32 s1, s0  }
0xbc: {  	s0 =	sadd.s32 $0x8F2B, s0  }
0xbd: {  	[sflag:s0] =	ssyncadd.remote.s32 $0x1  }
0xbe: {  	_ =	sfence.sel $0xFFFF  }
0xbf: {  	[dreg:$0x0] =	wrdreg $0xFFFFFFFF;
	(pc) =	sbr.abs _section_cstart, $3  }
0xc0: {  	[dreg:$0x1] =	wrdreg $0xFFFFFFFF  }
0xc1: {  	_ =	task.clear_ibuf [dreg:s7], $0x2FFFF;
	_ =	strace $0x9FFFFFFF  }
0xc2: {  	(tm) =	ssettm $0x7FFFFFFF  }
0xc3: {  	_ =	shalt  }
tec
execute0_lowered:
.L_overlay_start_1:
0x0: {  	(tag) =	ssettag $0x1  }
0x1: {  	s1 =	srdreg.scid;
	s0 =	stileid.u32  }
0x2: {  	s2 =	rddreg [dreg:$0x0];
	s10 =	sand.u32 $0x1, s1;
	s30 =	sshll.u32 s0, $0x1  }
0x3: {  	s4 =	rddreg [dreg:$0x1];
	s6 =	sor.u32 s10, s30  }
0x4: {  	s3 =	simm.s32 $0x0;
	s1 =	rddreg [dreg:$0x2];
	s5 =	sshll.u32 s6, $0x2  }
0x5: {  	[smem:$0x7FF] =	sst s3;
	s11 =	sadd.s32 s5, s4  }
0x6: {  	_ =	strace $0x80000047;
	s4 =	simm.s32 $0x2;
	s5 =	sadd.s32 $0x600, s11  }
0x7: {  	[tilespmem:s3], [sflag:$0x2] =	stream.linear.gather [hbm4b:s5+s3], $0x20, $0x38;
	[tilespmem:$0x1180] =	vst v63  }
0x8: {  	_ =	swait.ge [sflag:s4], $0x20  }
0x9: {  	[sflag:s4] =	ssyncset.done $0x0  }
0xa: {  	[sflag:s4] =	ssyncadd.s32 $0xFFFFFFE0  }
0xb: {  	v1 =	vld [tilespmem:$0x0]  }
0xc: {  	v2 =	vld [tilespmem:$0x10];
	_ =	sdelay $0x2  }
0xd: {  	v3 =	vlaneseq.u32;
	s7 =	sshrl.u32 s0, $0x1  }
0xe: {  	v5 =	vmul.u32 $0x80, v3;
	v0 =	vmov s7;
	s12 =	sshll.u32 s6, $0x5;
	v1 =	vshll.u32 v1, $0x3  }
0xf: {  	v4 =	vor.u32 s12, v3;
	v2 =	vshll.u32 v2, $0x3;
	v1 =	vor.u32 v0, v1  }
0x10: {  	s8 =	simm.s32 $0x100;
	v2 =	vor.u32 v0, v2;
	[tilespmem:$0x80] =	vst v1;
	v1 =	vand.u32 $0x6F, v4  }
0x11: {  	s9 =	simm.s32 $0x1;
	s7 =	simm.s32 $0x80;
	s6 =	simm.s32 $0x20;
	[tilespmem:$0x90] =	vst v2;
	v1 =	vor.u32 v5, v1  }
0x12: {  	[tilespmem:s8], [sflag:$0x1] =	stream.indirect.gather [hbm4b:s2+s6], $0x80, s7, s6, $0xb8;
	[tilespmem:$0x1180] =	vst v63  }
0x13: {  	_ =	swait.ge [sflag:s9], $0x1000  }
0x14: {  	v2 =	vor.u32 $0x10, v3;
	[sflag:s9] =	ssyncset.done $0x0  }
0x15: {  	v2 =	vor.u32 s12, v2;
	[sflag:s9] =	ssyncadd.s32 $0xFFFFF000  }
0x16: {  	v3 =	vor.u32 $0x800, v5;
	v2 =	vand.u32 $0x7F, v2;
	v63 =	vld.idx.msk [tilespmem:v1+s8+$0x0], $0xffff  }
0x17: {  	v2 =	vor.u32 v3, v2;
	_ =	sdelay $0x2  }
0x18: {  	s10 =	ssub.s32 $0x2, s10  }
0x19: {  	s31 =	sshrl.u32 s10, $0x1;
	[tilespmem:$0x1100] =	vst v63  }
0x1a: {  	s12 =	ssub.s32 s10, s31;
	v3 =	vld.idx.msk [tilespmem:v2+s8+$0x0], $0xffff  }
0x1b: {  	s12 =	smax.u32 s12, $0x1  }
0x1c: {  	p0 =	sne.s32 s12, $0x1  }
.Ltmp0:
0x1d: {  	_ = 	snop;
	(pc) =	sbr.rel @!p0 .LBB2_2-.Ltmp0, $4  }
0x1e: {  	_ = 	snop  }
0x1f: {  	s10 =	sadd.s32 $0x800, s11;
	s11 =	simm.s32 $0x1100;
	[tilespmem:$0x1110] =	vst v3  }
0x20: {  	[hbm4b:s10+s3] =	stream.linear.scatter [tilespmem:s11], [sflag:$0x2], $0x20, $0x38;
	[tilespmem:$0x1180] =	vst v63  }
0x21: {  	s12 =	sadd.s32 $0xFFFFFFFF, s12;
	_ =	swait.ge [sflag:s4], $0x20  }
.LBB2_1:
0x22: {  	p0 =	sne.s32 s12, $0x1;
	s12 =	sadd.s32 $0xFFFFFFFF, s12;
	[sflag:s4] =	ssyncset.done $0x0  }
0x23: {  	[sflag:s4] =	ssyncadd.s32 $0xFFFFFFE0  }
0x24: {  	[tilespmem:s3], [sflag:$0x2] =	stream.linear.gather [hbm4b:s5+s3], $0x20, $0x38;
	[tilespmem:$0x1180] =	vst v63  }
0x25: {  	_ =	swait.ge [sflag:s4], $0x20  }
0x26: {  	[sflag:s4] =	ssyncset.done $0x0  }
0x27: {  	[sflag:s4] =	ssyncadd.s32 $0xFFFFFFE0  }
0x28: {  	v3 =	vld [tilespmem:$0x0]  }
0x29: {  	v4 =	vld [tilespmem:$0x10];
	_ =	sdelay $0x3  }
0x2a: {  	v3 =	vshll.u32 v3, $0x3  }
0x2b: {  	v3 =	vor.u32 v0, v3;
	v4 =	vshll.u32 v4, $0x3  }
0x2c: {  	[tilespmem:$0x80] =	vst v3;
	v3 =	vor.u32 v0, v4  }
0x2d: {  	[tilespmem:$0x90] =	vst v3  }
0x2e: {  	[tilespmem:s8], [sflag:$0x1] =	stream.indirect.gather [hbm4b:s2+s6], $0x80, s7, s6, $0xb8;
	[tilespmem:$0x1180] =	vst v63  }
0x2f: {  	_ =	swait.ge [sflag:s9], $0x1000  }
0x30: {  	[sflag:s9] =	ssyncset.done $0x0  }
0x31: {  	[sflag:s9] =	ssyncadd.s32 $0xFFFFF000  }
0x32: {  	v3 =	vld.idx.msk [tilespmem:v1+s8+$0x0], $0xffff;
	_ =	sdelay $0x5  }
0x33: {  	[tilespmem:$0x1100] =	vst v3  }
0x34: {  	v3 =	vld.idx.msk [tilespmem:v2+s8+$0x0], $0xffff;
	_ =	sdelay $0x3  }
.Ltmp1:
0x35: {  	(pc) =	sbr.rel @p0 .LBB2_1-.Ltmp1, $4  }
0x36: {  	_ = 	snop  }
0x37: {  	[tilespmem:$0x1110] =	vst v3  }
0x38: {  	[hbm4b:s10+s3] =	stream.linear.scatter [tilespmem:s11], [sflag:$0x2], $0x20, $0x38;
	[tilespmem:$0x1180] =	vst v63  }
0x39: {  	_ =	swait.ge [sflag:s4], $0x20  }
.LBB2_2:
0x3a: {  	[sflag:s4] =	ssyncset.done $0x0  }
0x3b: {  	[sflag:s4] =	ssyncadd.s32 $0xFFFFFFE0  }
0x3c: {  	_ =	sfence.sel $0x180000  }
0x3d: {  	[bflag:$0x0] =	sbarrier.arrive $0xFFFF  }
0x3e: {  	p0 =	sne.s32 s0, $0x0;
	_ =	strace $0x90000047  }
0x3f: {  	s0 =	sadd.s32 @!p0 $0x100000, s1;
	[bflag:$0x2] =	sbarrier.arrive $0xFFFF  }
0x40: {  	[sflag:s0] =	ssyncadd.tile.s32 @!p0 $0x1;
	_ =	shalt  }
.Lfunc_end2:
_tile_overlayer_lowered:
.L_overlay_start_2:
0x41: {  	(tag) =	ssettag $0x2  }
0x42: {  	s0 =	rddreg [dreg:$0x0];
	s2 =	stileid.u32  }
0x43: {  	s1 =	rddreg [dreg:$0x1];
	p0 =	sne.s32 s2, $0x0  }
0x44: {  	s3 =	rddreg [dreg:$0x2];
	[bflag:$0x3] =	sbarrier.arrive $0xFFFF;
	s2 =	simm.s32 @!p0 $0x1C02  }
0x45: {  	[timem:s3], [sflag:s2] =	dma.local @!p0 [hbm:s0], s1  }
0x46: {  	s0 =	simm.s32 @!p0 $0x2  }
0x47: {  	_ =	swait.ge @!p0 [sflag:s0], s1  }
0x48: {  	s1 =	ssub.s32 @!p0 $0x0, s1;
	[sflag:s0] =	ssyncset.done @!p0 $0x0  }
0x49: {  	[sflag:s0] =	ssyncadd.s32 @!p0 s1  }
0x4a: {  	[bflag:$0x3] =	sbarrier.arrive $0xFFFF  }
0x4b: {  	_ =	shalt  }

</sc_bundles>
